<compile_context>
chip_gen: v7x
topology: tpu7x:2x2x1
jax: 0.10.2.dev20260603
libtpu: 0.0.44.dev20260713+nightly
codegen_flags: <defaults>
</compile_context>

<pallas_src>
import functools

import jax
import jax.numpy as jnp
from jax import lax
from jax.experimental import pallas as pl
from jax.experimental.pallas import tpu as pltpu
from jax.experimental.pallas import tpu_sc as plsc

NUM_SAMPLES = 1000000
BATCH = 16384
DIHEDRAL_EPS = 0.076
GNN_EPS = 6.38
FOLDSEEK_EPS = 3.0

_INFO = plsc.get_sparse_core_info()
_NC = _INFO.num_cores
_NS = _INFO.num_subcores
_NW = _NC * _NS
_L = _INFO.num_lanes
_BPW = BATCH // _NW
_HALF = _BPW // 2


def _body(idx_hbm, dl_hbm, gl_hbm, fl_hbm, lamd_hbm, lamg_hbm, lamf_hbm,
          out_hbm, idx_v, ld_v, lg_v, lf_v, dl_v, gl_v, fl_v, acc_v,
          sem, sem_b):
    wid = lax.axis_index("s") * _NC + lax.axis_index("c")
    base = wid * _BPW
    copies = [
        pltpu.async_copy(dl_hbm.at[pl.ds(base, _BPW)], dl_v, sem),
        pltpu.async_copy(gl_hbm.at[pl.ds(base, _BPW)], gl_v, sem),
        pltpu.async_copy(fl_hbm.at[pl.ds(base, _BPW)], fl_v, sem),
    ]
    lo = pl.ds(0, _HALF)
    hi = pl.ds(_HALF, _HALF)
    pltpu.sync_copy(idx_hbm.at[pl.ds(base, _BPW)], idx_v)
    copies += [
        pltpu.async_copy(lamd_hbm.at[idx_v.at[lo]], ld_v.at[lo], sem),
        pltpu.async_copy(lamg_hbm.at[idx_v.at[lo]], lg_v.at[lo], sem),
        pltpu.async_copy(lamf_hbm.at[idx_v.at[lo]], lf_v.at[lo], sem),
    ]
    copies_b = [
        pltpu.async_copy(lamd_hbm.at[idx_v.at[hi]], ld_v.at[hi], sem_b),
        pltpu.async_copy(lamg_hbm.at[idx_v.at[hi]], lg_v.at[hi], sem_b),
        pltpu.async_copy(lamf_hbm.at[idx_v.at[hi]], lf_v.at[hi], sem_b),
    ]
    for c in copies:
        c.wait()

    def term(s):
        return (ld_v[s] * (dl_v[s] - DIHEDRAL_EPS)
                + lg_v[s] * (gl_v[s] - GNN_EPS)
                + lf_v[s] * (fl_v[s] - FOLDSEEK_EPS))

    def step(i, acc):
        return acc + term(pl.ds(pl.multiple_of(i * _L, _L), _L))

    nstep = _HALF // _L
    acc = lax.fori_loop(0, nstep, step, jnp.zeros((_L,), jnp.float32))
    for c in copies_b:
        c.wait()
    acc_v[...] = lax.fori_loop(nstep, 2 * nstep, step, acc)
    pltpu.sync_copy(acc_v, out_hbm.at[wid])


_sc_call = functools.partial(
    pl.kernel,
    mesh=plsc.VectorSubcoreMesh(core_axis_name="c", subcore_axis_name="s"),
    out_type=jax.ShapeDtypeStruct((_NW, _L), jnp.float32),
    scratch_types=[
        pltpu.VMEM((_BPW,), jnp.int32),
        pltpu.VMEM((_BPW,), jnp.float32),
        pltpu.VMEM((_BPW,), jnp.float32),
        pltpu.VMEM((_BPW,), jnp.float32),
        pltpu.VMEM((_BPW,), jnp.float32),
        pltpu.VMEM((_BPW,), jnp.float32),
        pltpu.VMEM((_BPW,), jnp.float32),
        pltpu.VMEM((_L,), jnp.float32),
        pltpu.SemaphoreType.DMA,
        pltpu.SemaphoreType.DMA,
    ],
)(_body)


def kernel(primary_loss, dihedral_losses, gnn_losses, foldseek_losses,
           indices, lam_dihedral, lam_gnn, lam_foldseek):
    idx = indices.astype(jnp.int32)
    partials = _sc_call(idx, dihedral_losses, gnn_losses, foldseek_losses,
                        lam_dihedral, lam_gnn, lam_foldseek)
    return primary_loss + jnp.sum(partials)

# --- scband reference (transcript-rebuilt; emitter-appended) ---
"""Pipeline reference for scband-multi-constraint-lagrangian-14474039787799 (READ-ONLY COPY).

The authoritative reference and input builder live on the scoring server;
editing this copy changes nothing except your own understanding.
"""

import jax, jax.numpy as jnp
import numpy as np

NUM_SAMPLES = 1000000
BATCH = 16384
DIHEDRAL_EPS = 0.076
GNN_EPS = 6.38
FOLDSEEK_EPS = 3.0


def setup_inputs(seed: int = 0) -> dict:
    key = jax.random.key(seed)
    k1, k2, k3, k4, k5, k6, k7, k8, k9 = jax.random.split(key, 9)
    primary_loss = jax.random.uniform(k1, (), dtype=jnp.float32)
    dihedral_losses = jax.random.uniform(k2, (BATCH,), dtype=jnp.float32)
    gnn_losses = jax.random.uniform(k3, (BATCH,), dtype=jnp.float32)
    foldseek_losses = jax.random.uniform(k4, (BATCH,), dtype=jnp.float32)
    indices = jax.random.randint(k5, (BATCH,), 0, NUM_SAMPLES, dtype=jnp.int64)
    # Buffers initialized as in a mid-training state (module registers them as zeros;
    # nonzero values exercise the gather meaningfully). Use zeros-compatible nonneg values.
    lam_dihedral = jax.random.uniform(k6, (NUM_SAMPLES,), dtype=jnp.float32) * 0.1
    lam_gnn = jax.random.uniform(k7, (NUM_SAMPLES,), dtype=jnp.float32) * 0.1
    lam_foldseek = jax.random.uniform(k8, (NUM_SAMPLES,), dtype=jnp.float32) * 0.1
    return {
        "primary_loss": primary_loss,
        "dihedral_losses": dihedral_losses,
        "gnn_losses": gnn_losses,
        "foldseek_losses": foldseek_losses,
        "indices": indices,
        "lam_dihedral": lam_dihedral,
        "lam_gnn": lam_gnn,
        "lam_foldseek": lam_foldseek,
    }


def reference(primary_loss, dihedral_losses, gnn_losses, foldseek_losses, indices,
              lam_dihedral, lam_gnn, lam_foldseek):
    # compute_lagrangian: gather per-sample lambdas from the full-dataset buffers
    lam_dihedral_batch = jnp.take(lam_dihedral, indices, axis=0)
    lam_gnn_batch = jnp.take(lam_gnn, indices, axis=0)
    lam_foldseek_batch = jnp.take(lam_foldseek, indices, axis=0)
    dihedral_constraint_terms = jax.lax.stop_gradient(lam_dihedral_batch) * (dihedral_losses - DIHEDRAL_EPS)
    gnn_constraint_terms = jax.lax.stop_gradient(lam_gnn_batch) * (gnn_losses - GNN_EPS)
    foldseek_constraint_terms = jax.lax.stop_gradient(lam_foldseek_batch) * (foldseek_losses - FOLDSEEK_EPS)
    total_constraint_term = jnp.sum(dihedral_constraint_terms + gnn_constraint_terms + foldseek_constraint_terms)
    lagrangian = primary_loss + total_constraint_term
    return lagrangian

if __name__ == "__main__":
    import jax
    _d = setup_inputs()
    print(jax.jit(kernel)(*tuple(_d.values())))

</pallas_src>

<mosaic_0001>
#map = affine_map<(d0, d1) -> (0)>
#map1 = affine_map<(d0, d1) -> (0, 0)>
module attributes {stable_mosaic.version = 14 : i64} {
  func.func @_body(%arg0: i32, %arg1: i32, %arg2: memref<16384xi32, #tpu.memory_space<hbm>>, %arg3: memref<16384xf32, #tpu.memory_space<hbm>>, %arg4: memref<16384xf32, #tpu.memory_space<hbm>>, %arg5: memref<16384xf32, #tpu.memory_space<hbm>>, %arg6: memref<1000000xf32, #tpu.memory_space<hbm>>, %arg7: memref<1000000xf32, #tpu.memory_space<hbm>>, %arg8: memref<1000000xf32, #tpu.memory_space<hbm>>, %arg9: memref<32x16xf32, #tpu.memory_space<hbm>>, %arg10: memref<512xi32, #tpu.memory_space<vmem>>, %arg11: memref<512xf32, #tpu.memory_space<vmem>>, %arg12: memref<512xf32, #tpu.memory_space<vmem>>, %arg13: memref<512xf32, #tpu.memory_space<vmem>>, %arg14: memref<512xf32, #tpu.memory_space<vmem>>, %arg15: memref<512xf32, #tpu.memory_space<vmem>>, %arg16: memref<512xf32, #tpu.memory_space<vmem>>, %arg17: memref<16xf32, #tpu.memory_space<vmem>>, %arg18: memref<!tpu.dma_semaphore, #tpu.memory_space<semaphore_mem>>, %arg19: memref<!tpu.dma_semaphore, #tpu.memory_space<semaphore_mem>>) attributes {dimension_semantics = [#tpu.dimension_semantics<core_parallel>, #tpu.dimension_semantics<subcore_parallel>], iteration_bounds = array<i64: 2, 16>, scalar_prefetch = 0 : i64, scratch_operands = 10 : i64, tpu.core_type = #tpu.core_type<sc_vector_subcore>, window_params = [{transform_indices = #map}, {transform_indices = #map}, {transform_indices = #map}, {transform_indices = #map}, {transform_indices = #map}, {transform_indices = #map}, {transform_indices = #map}, {transform_indices = #map1}]} {
    %mul3A = arith.constant 2 : i32
    %mul3A_0 = arith.muli %arg1, %mul3A : i32
    %add3A = arith.addi %mul3A_0, %arg0 : i32
    %mul3A_1 = arith.constant 512 : i32
    %mul3A_2 = arith.muli %add3A, %mul3A_1 : i32
    %dma_start3A = tpu.memref_slice %arg3[%mul3A_2] : memref<16384xf32, #tpu.memory_space<hbm>> -> memref<512xf32, #tpu.memory_space<hbm>>
    %dma_start3A_3 = tpu.memref_slice %arg3[%mul3A_2] : memref<16384xf32, #tpu.memory_space<hbm>> -> memref<512xf32, #tpu.memory_space<hbm>>
    tpu.enqueue_dma source(%dma_start3A_3 : memref<512xf32, #tpu.memory_space<hbm>>) target(%arg14 : memref<512xf32, #tpu.memory_space<vmem>>) target_semaphore(%arg18 : memref<!tpu.dma_semaphore, #tpu.memory_space<semaphore_mem>>)
    %dma_start3A_4 = tpu.memref_slice %arg4[%mul3A_2] : memref<16384xf32, #tpu.memory_space<hbm>> -> memref<512xf32, #tpu.memory_space<hbm>>
    %dma_start3A_5 = tpu.memref_slice %arg4[%mul3A_2] : memref<16384xf32, #tpu.memory_space<hbm>> -> memref<512xf32, #tpu.memory_space<hbm>>
    tpu.enqueue_dma source(%dma_start3A_5 : memref<512xf32, #tpu.memory_space<hbm>>) target(%arg15 : memref<512xf32, #tpu.memory_space<vmem>>) target_semaphore(%arg18 : memref<!tpu.dma_semaphore, #tpu.memory_space<semaphore_mem>>)
    %dma_start3A_6 = tpu.memref_slice %arg5[%mul3A_2] : memref<16384xf32, #tpu.memory_space<hbm>> -> memref<512xf32, #tpu.memory_space<hbm>>
    %dma_start3A_7 = tpu.memref_slice %arg5[%mul3A_2] : memref<16384xf32, #tpu.memory_space<hbm>> -> memref<512xf32, #tpu.memory_space<hbm>>
    tpu.enqueue_dma source(%dma_start3A_7 : memref<512xf32, #tpu.memory_space<hbm>>) target(%arg16 : memref<512xf32, #tpu.memory_space<vmem>>) target_semaphore(%arg18 : memref<!tpu.dma_semaphore, #tpu.memory_space<semaphore_mem>>)
    "tpu.region"() ({
      %run_scoped3A = tpu.sem_alloc : memref<!tpu.dma_semaphore, #tpu.memory_space<semaphore_mem>>
      %dma_start3A_100 = tpu.memref_slice %arg2[%mul3A_2] : memref<16384xi32, #tpu.memory_space<hbm>> -> memref<512xi32, #tpu.memory_space<hbm>>
      %dma_start3A_101 = tpu.memref_slice %arg2[%mul3A_2] : memref<16384xi32, #tpu.memory_space<hbm>> -> memref<512xi32, #tpu.memory_space<hbm>>
      tpu.enqueue_dma source(%dma_start3A_101 : memref<512xi32, #tpu.memory_space<hbm>>) target(%arg10 : memref<512xi32, #tpu.memory_space<vmem>>) target_semaphore(%run_scoped3A : memref<!tpu.dma_semaphore, #tpu.memory_space<semaphore_mem>>)
      %dma_wait3A_102 = tpu.memref_slice %arg2[%mul3A_2] : memref<16384xi32, #tpu.memory_space<hbm>> -> memref<512xi32, #tpu.memory_space<hbm>>
      %dma_wait3A_103 = tpu.memref_slice %arg2[%mul3A_2] : memref<16384xi32, #tpu.memory_space<hbm>> -> memref<512xi32, #tpu.memory_space<hbm>>
      tpu.wait_dma2 semaphore(%run_scoped3A : memref<!tpu.dma_semaphore, #tpu.memory_space<semaphore_mem>>) src(%dma_wait3A_103 : memref<512xi32, #tpu.memory_space<hbm>>) dst(%arg10 : memref<512xi32, #tpu.memory_space<vmem>>)
      tpu.yield
    }) : () -> ()
    %dma_start3A_8 = arith.constant 0 : i32
    %dma_start3A_9 = tpu.memref_slice %arg11[%dma_start3A_8] : memref<512xf32, #tpu.memory_space<vmem>> -> memref<256xf32, #tpu.memory_space<vmem>>
    %dma_start3A_10 = arith.constant 0 : i32
    %dma_start3A_11 = tpu.memref_slice %arg10[%dma_start3A_10] : memref<512xi32, #tpu.memory_space<vmem>> -> memref<256xi32, #tpu.memory_space<vmem>>
    %dma_start3A_12 = arith.constant 0 : i32
    %dma_start3A_13 = tpu.memref_slice %arg6[%dma_start3A_12] : memref<1000000xf32, #tpu.memory_space<hbm>> -> memref<1000000xf32, #tpu.memory_space<hbm>>
    tpu.enqueue_indirect_dma source(%dma_start3A_13 : memref<1000000xf32, #tpu.memory_space<hbm>>) target(%dma_start3A_9 : memref<256xf32, #tpu.memory_space<vmem>>) offsets(%dma_start3A_11 : memref<256xi32, #tpu.memory_space<vmem>>) semaphore(%arg18 : memref<!tpu.dma_semaphore, #tpu.memory_space<semaphore_mem>>)
    %dma_start3A_14 = arith.constant 0 : i32
    %dma_start3A_15 = tpu.memref_slice %arg12[%dma_start3A_14] : memref<512xf32, #tpu.memory_space<vmem>> -> memref<256xf32, #tpu.memory_space<vmem>>
    %dma_start3A_16 = arith.constant 0 : i32
    %dma_start3A_17 = tpu.memref_slice %arg10[%dma_start3A_16] : memref<512xi32, #tpu.memory_space<vmem>> -> memref<256xi32, #tpu.memory_space<vmem>>
    %dma_start3A_18 = arith.constant 0 : i32
    %dma_start3A_19 = tpu.memref_slice %arg7[%dma_start3A_18] : memref<1000000xf32, #tpu.memory_space<hbm>> -> memref<1000000xf32, #tpu.memory_space<hbm>>
    tpu.enqueue_indirect_dma source(%dma_start3A_19 : memref<1000000xf32, #tpu.memory_space<hbm>>) target(%dma_start3A_15 : memref<256xf32, #tpu.memory_space<vmem>>) offsets(%dma_start3A_17 : memref<256xi32, #tpu.memory_space<vmem>>) semaphore(%arg18 : memref<!tpu.dma_semaphore, #tpu.memory_space<semaphore_mem>>)
    %dma_start3A_20 = arith.constant 0 : i32
    %dma_start3A_21 = tpu.memref_slice %arg13[%dma_start3A_20] : memref<512xf32, #tpu.memory_space<vmem>> -> memref<256xf32, #tpu.memory_space<vmem>>
    %dma_start3A_22 = arith.constant 0 : i32
    %dma_start3A_23 = tpu.memref_slice %arg10[%dma_start3A_22] : memref<512xi32, #tpu.memory_space<vmem>> -> memref<256xi32, #tpu.memory_space<vmem>>
    %dma_start3A_24 = arith.constant 0 : i32
    %dma_start3A_25 = tpu.memref_slice %arg8[%dma_start3A_24] : memref<1000000xf32, #tpu.memory_space<hbm>> -> memref<1000000xf32, #tpu.memory_space<hbm>>
    tpu.enqueue_indirect_dma source(%dma_start3A_25 : memref<1000000xf32, #tpu.memory_space<hbm>>) target(%dma_start3A_21 : memref<256xf32, #tpu.memory_space<vmem>>) offsets(%dma_start3A_23 : memref<256xi32, #tpu.memory_space<vmem>>) semaphore(%arg18 : memref<!tpu.dma_semaphore, #tpu.memory_space<semaphore_mem>>)
    %dma_start3A_26 = arith.constant 256 : i32
    %dma_start3A_27 = tpu.memref_slice %arg11[%dma_start3A_26] : memref<512xf32, #tpu.memory_space<vmem>> -> memref<256xf32, #tpu.memory_space<vmem>>
    %dma_start3A_28 = arith.constant 256 : i32
    %dma_start3A_29 = tpu.memref_slice %arg10[%dma_start3A_28] : memref<512xi32, #tpu.memory_space<vmem>> -> memref<256xi32, #tpu.memory_space<vmem>>
    %dma_start3A_30 = arith.constant 0 : i32
    %dma_start3A_31 = tpu.memref_slice %arg6[%dma_start3A_30] : memref<1000000xf32, #tpu.memory_space<hbm>> -> memref<1000000xf32, #tpu.memory_space<hbm>>
    tpu.enqueue_indirect_dma source(%dma_start3A_31 : memref<1000000xf32, #tpu.memory_space<hbm>>) target(%dma_start3A_27 : memref<256xf32, #tpu.memory_space<vmem>>) offsets(%dma_start3A_29 : memref<256xi32, #tpu.memory_space<vmem>>) semaphore(%arg19 : memref<!tpu.dma_semaphore, #tpu.memory_space<semaphore_mem>>)
    %dma_start3A_32 = arith.constant 256 : i32
    %dma_start3A_33 = tpu.memref_slice %arg12[%dma_start3A_32] : memref<512xf32, #tpu.memory_space<vmem>> -> memref<256xf32, #tpu.memory_space<vmem>>
    %dma_start3A_34 = arith.constant 256 : i32
    %dma_start3A_35 = tpu.memref_slice %arg10[%dma_start3A_34] : memref<512xi32, #tpu.memory_space<vmem>> -> memref<256xi32, #tpu.memory_space<vmem>>
    %dma_start3A_36 = arith.constant 0 : i32
    %dma_start3A_37 = tpu.memref_slice %arg7[%dma_start3A_36] : memref<1000000xf32, #tpu.memory_space<hbm>> -> memref<1000000xf32, #tpu.memory_space<hbm>>
    tpu.enqueue_indirect_dma source(%dma_start3A_37 : memref<1000000xf32, #tpu.memory_space<hbm>>) target(%dma_start3A_33 : memref<256xf32, #tpu.memory_space<vmem>>) offsets(%dma_start3A_35 : memref<256xi32, #tpu.memory_space<vmem>>) semaphore(%arg19 : memref<!tpu.dma_semaphore, #tpu.memory_space<semaphore_mem>>)
    %dma_start3A_38 = arith.constant 256 : i32
    %dma_start3A_39 = tpu.memref_slice %arg13[%dma_start3A_38] : memref<512xf32, #tpu.memory_space<vmem>> -> memref<256xf32, #tpu.memory_space<vmem>>
    %dma_start3A_40 = arith.constant 256 : i32
    %dma_start3A_41 = tpu.memref_slice %arg10[%dma_start3A_40] : memref<512xi32, #tpu.memory_space<vmem>> -> memref<256xi32, #tpu.memory_space<vmem>>
    %dma_start3A_42 = arith.constant 0 : i32
    %dma_start3A_43 = tpu.memref_slice %arg8[%dma_start3A_42] : memref<1000000xf32, #tpu.memory_space<hbm>> -> memref<1000000xf32, #tpu.memory_space<hbm>>
    tpu.enqueue_indirect_dma source(%dma_start3A_43 : memref<1000000xf32, #tpu.memory_space<hbm>>) target(%dma_start3A_39 : memref<256xf32, #tpu.memory_space<vmem>>) offsets(%dma_start3A_41 : memref<256xi32, #tpu.memory_space<vmem>>) semaphore(%arg19 : memref<!tpu.dma_semaphore, #tpu.memory_space<semaphore_mem>>)
    %dma_wait3A = tpu.memref_slice %arg3[%mul3A_2] : memref<16384xf32, #tpu.memory_space<hbm>> -> memref<512xf32, #tpu.memory_space<hbm>>
    %dma_wait3A_44 = tpu.memref_slice %arg3[%mul3A_2] : memref<16384xf32, #tpu.memory_space<hbm>> -> memref<512xf32, #tpu.memory_space<hbm>>
    tpu.wait_dma2 semaphore(%arg18 : memref<!tpu.dma_semaphore, #tpu.memory_space<semaphore_mem>>) src(%dma_wait3A_44 : memref<512xf32, #tpu.memory_space<hbm>>) dst(%arg14 : memref<512xf32, #tpu.memory_space<vmem>>)
    %dma_wait3A_45 = tpu.memref_slice %arg4[%mul3A_2] : memref<16384xf32, #tpu.memory_space<hbm>> -> memref<512xf32, #tpu.memory_space<hbm>>
    %dma_wait3A_46 = tpu.memref_slice %arg4[%mul3A_2] : memref<16384xf32, #tpu.memory_space<hbm>> -> memref<512xf32, #tpu.memory_space<hbm>>
    tpu.wait_dma2 semaphore(%arg18 : memref<!tpu.dma_semaphore, #tpu.memory_space<semaphore_mem>>) src(%dma_wait3A_46 : memref<512xf32, #tpu.memory_space<hbm>>) dst(%arg15 : memref<512xf32, #tpu.memory_space<vmem>>)
    %dma_wait3A_47 = tpu.memref_slice %arg5[%mul3A_2] : memref<16384xf32, #tpu.memory_space<hbm>> -> memref<512xf32, #tpu.memory_space<hbm>>
    %dma_wait3A_48 = tpu.memref_slice %arg5[%mul3A_2] : memref<16384xf32, #tpu.memory_space<hbm>> -> memref<512xf32, #tpu.memory_space<hbm>>
    tpu.wait_dma2 semaphore(%arg18 : memref<!tpu.dma_semaphore, #tpu.memory_space<semaphore_mem>>) src(%dma_wait3A_48 : memref<512xf32, #tpu.memory_space<hbm>>) dst(%arg16 : memref<512xf32, #tpu.memory_space<vmem>>)
    %dma_wait3A_49 = arith.constant 0 : i32
    %dma_wait3A_50 = tpu.memref_slice %arg11[%dma_wait3A_49] : memref<512xf32, #tpu.memory_space<vmem>> -> memref<256xf32, #tpu.memory_space<vmem>>
    %dma_wait3A_51 = arith.constant 0 : i32
    %dma_wait3A_52 = tpu.memref_slice %arg10[%dma_wait3A_51] : memref<512xi32, #tpu.memory_space<vmem>> -> memref<256xi32, #tpu.memory_space<vmem>>
    %dma_wait3A_53 = arith.constant 0 : i32
    %dma_wait3A_54 = tpu.memref_slice %arg6[%dma_wait3A_53] : memref<1000000xf32, #tpu.memory_space<hbm>> -> memref<1000000xf32, #tpu.memory_space<hbm>>
    tpu.wait_indirect_dma semaphore(%arg18 : memref<!tpu.dma_semaphore, #tpu.memory_space<semaphore_mem>>) src(%dma_wait3A_54 : memref<1000000xf32, #tpu.memory_space<hbm>>) dst(%dma_wait3A_50 : memref<256xf32, #tpu.memory_space<vmem>>)
    %dma_wait3A_55 = arith.constant 0 : i32
    %dma_wait3A_56 = tpu.memref_slice %arg12[%dma_wait3A_55] : memref<512xf32, #tpu.memory_space<vmem>> -> memref<256xf32, #tpu.memory_space<vmem>>
    %dma_wait3A_57 = arith.constant 0 : i32
    %dma_wait3A_58 = tpu.memref_slice %arg10[%dma_wait3A_57] : memref<512xi32, #tpu.memory_space<vmem>> -> memref<256xi32, #tpu.memory_space<vmem>>
    %dma_wait3A_59 = arith.constant 0 : i32
    %dma_wait3A_60 = tpu.memref_slice %arg7[%dma_wait3A_59] : memref<1000000xf32, #tpu.memory_space<hbm>> -> memref<1000000xf32, #tpu.memory_space<hbm>>
    tpu.wait_indirect_dma semaphore(%arg18 : memref<!tpu.dma_semaphore, #tpu.memory_space<semaphore_mem>>) src(%dma_wait3A_60 : memref<1000000xf32, #tpu.memory_space<hbm>>) dst(%dma_wait3A_56 : memref<256xf32, #tpu.memory_space<vmem>>)
    %dma_wait3A_61 = arith.constant 0 : i32
    %dma_wait3A_62 = tpu.memref_slice %arg13[%dma_wait3A_61] : memref<512xf32, #tpu.memory_space<vmem>> -> memref<256xf32, #tpu.memory_space<vmem>>
    %dma_wait3A_63 = arith.constant 0 : i32
    %dma_wait3A_64 = tpu.memref_slice %arg10[%dma_wait3A_63] : memref<512xi32, #tpu.memory_space<vmem>> -> memref<256xi32, #tpu.memory_space<vmem>>
    %dma_wait3A_65 = arith.constant 0 : i32
    %dma_wait3A_66 = tpu.memref_slice %arg8[%dma_wait3A_65] : memref<1000000xf32, #tpu.memory_space<hbm>> -> memref<1000000xf32, #tpu.memory_space<hbm>>
    tpu.wait_indirect_dma semaphore(%arg18 : memref<!tpu.dma_semaphore, #tpu.memory_space<semaphore_mem>>) src(%dma_wait3A_66 : memref<1000000xf32, #tpu.memory_space<hbm>>) dst(%dma_wait3A_62 : memref<256xf32, #tpu.memory_space<vmem>>)
    %broadcast_in_dim3A = arith.constant 0.000000e+00 : f32
    %broadcast_in_dim3A_67 = vector.broadcast %broadcast_in_dim3A : f32 to vector<16xf32>
    %scan3A = arith.constant 0 : i32
    %scan3A_68 = arith.constant 16 : i32
    %scan3A_69 = arith.addi %scan3A, %scan3A_68 : i32
    %scan3A_70 = arith.constant 1 : i32
    %scan3A_71 = scf.for %scan3A_100 = %scan3A to %scan3A_69 step %scan3A_70 iter_args(%scan3A_101 = %broadcast_in_dim3A_67) -> (vector<16xf32>)  : i32 {
      %mul3A_102 = arith.constant 16 : i32
      %mul3A_103 = arith.muli %scan3A_100, %mul3A_102 : i32
      %multiple_of3A = tpu.assume_multiple %mul3A_103, 16 : i32
      %get3A = arith.index_cast %multiple_of3A : i32 to index
      %get3A_104 = tpu.vector_load %arg11[%get3A] {strides = array<i32>} : memref<512xf32, #tpu.memory_space<vmem>>, vector<16xf32>,
      %get3A_105 = vector.shape_cast %get3A_104 : vector<16xf32> to vector<16xf32>
      %get3A_106 = arith.index_cast %multiple_of3A : i32 to index
      %get3A_107 = tpu.vector_load %arg14[%get3A_106] {strides = array<i32>} : memref<512xf32, #tpu.memory_space<vmem>>, vector<16xf32>,
      %get3A_108 = vector.shape_cast %get3A_107 : vector<16xf32> to vector<16xf32>
      %sub3A = arith.constant 7.600000e-02 : f32
      %sub3A_109 = vector.broadcast %sub3A : f32 to vector<16xf32>
      %sub3A_110 = arith.subf %get3A_108, %sub3A_109 : vector<16xf32>
      %mul3A_111 = arith.mulf %get3A_105, %sub3A_110 : vector<16xf32>
      %get3A_112 = arith.index_cast %multiple_of3A : i32 to index
      %get3A_113 = tpu.vector_load %arg12[%get3A_112] {strides = array<i32>} : memref<512xf32, #tpu.memory_space<vmem>>, vector<16xf32>,
      %get3A_114 = vector.shape_cast %get3A_113 : vector<16xf32> to vector<16xf32>
      %get3A_115 = arith.index_cast %multiple_of3A : i32 to index
      %get3A_116 = tpu.vector_load %arg15[%get3A_115] {strides = array<i32>} : memref<512xf32, #tpu.memory_space<vmem>>, vector<16xf32>,
      %get3A_117 = vector.shape_cast %get3A_116 : vector<16xf32> to vector<16xf32>
      %sub3A_118 = arith.constant 6.380000e+00 : f32
      %sub3A_119 = vector.broadcast %sub3A_118 : f32 to vector<16xf32>
      %sub3A_120 = arith.subf %get3A_117, %sub3A_119 : vector<16xf32>
      %mul3A_121 = arith.mulf %get3A_114, %sub3A_120 : vector<16xf32>
      %add3A_122 = arith.addf %mul3A_111, %mul3A_121 : vector<16xf32>
      %get3A_123 = arith.index_cast %multiple_of3A : i32 to index
      %get3A_124 = tpu.vector_load %arg13[%get3A_123] {strides = array<i32>} : memref<512xf32, #tpu.memory_space<vmem>>, vector<16xf32>,
      %get3A_125 = vector.shape_cast %get3A_124 : vector<16xf32> to vector<16xf32>
      %get3A_126 = arith.index_cast %multiple_of3A : i32 to index
      %get3A_127 = tpu.vector_load %arg16[%get3A_126] {strides = array<i32>} : memref<512xf32, #tpu.memory_space<vmem>>, vector<16xf32>,
      %get3A_128 = vector.shape_cast %get3A_127 : vector<16xf32> to vector<16xf32>
      %sub3A_129 = arith.constant 3.000000e+00 : f32
      %sub3A_130 = vector.broadcast %sub3A_129 : f32 to vector<16xf32>
      %sub3A_131 = arith.subf %get3A_128, %sub3A_130 : vector<16xf32>
      %mul3A_132 = arith.mulf %get3A_125, %sub3A_131 : vector<16xf32>
      %add3A_133 = arith.addf %add3A_122, %mul3A_132 : vector<16xf32>
      %add3A_134 = arith.addf %scan3A_101, %add3A_133 : vector<16xf32>
      scf.yield %add3A_134 : vector<16xf32>
    }
    %scan3A_72 = arith.constant 16 : i32
    %dma_wait3A_73 = arith.constant 256 : i32
    %dma_wait3A_74 = tpu.memref_slice %arg11[%dma_wait3A_73] : memref<512xf32, #tpu.memory_space<vmem>> -> memref<256xf32, #tpu.memory_space<vmem>>
    %dma_wait3A_75 = arith.constant 256 : i32
    %dma_wait3A_76 = tpu.memref_slice %arg10[%dma_wait3A_75] : memref<512xi32, #tpu.memory_space<vmem>> -> memref<256xi32, #tpu.memory_space<vmem>>
    %dma_wait3A_77 = arith.constant 0 : i32
    %dma_wait3A_78 = tpu.memref_slice %arg6[%dma_wait3A_77] : memref<1000000xf32, #tpu.memory_space<hbm>> -> memref<1000000xf32, #tpu.memory_space<hbm>>
    tpu.wait_indirect_dma semaphore(%arg19 : memref<!tpu.dma_semaphore, #tpu.memory_space<semaphore_mem>>) src(%dma_wait3A_78 : memref<1000000xf32, #tpu.memory_space<hbm>>) dst(%dma_wait3A_74 : memref<256xf32, #tpu.memory_space<vmem>>)
    %dma_wait3A_79 = arith.constant 256 : i32
    %dma_wait3A_80 = tpu.memref_slice %arg12[%dma_wait3A_79] : memref<512xf32, #tpu.memory_space<vmem>> -> memref<256xf32, #tpu.memory_space<vmem>>
    %dma_wait3A_81 = arith.constant 256 : i32
    %dma_wait3A_82 = tpu.memref_slice %arg10[%dma_wait3A_81] : memref<512xi32, #tpu.memory_space<vmem>> -> memref<256xi32, #tpu.memory_space<vmem>>
    %dma_wait3A_83 = arith.constant 0 : i32
    %dma_wait3A_84 = tpu.memref_slice %arg7[%dma_wait3A_83] : memref<1000000xf32, #tpu.memory_space<hbm>> -> memref<1000000xf32, #tpu.memory_space<hbm>>
    tpu.wait_indirect_dma semaphore(%arg19 : memref<!tpu.dma_semaphore, #tpu.memory_space<semaphore_mem>>) src(%dma_wait3A_84 : memref<1000000xf32, #tpu.memory_space<hbm>>) dst(%dma_wait3A_80 : memref<256xf32, #tpu.memory_space<vmem>>)
    %dma_wait3A_85 = arith.constant 256 : i32
    %dma_wait3A_86 = tpu.memref_slice %arg13[%dma_wait3A_85] : memref<512xf32, #tpu.memory_space<vmem>> -> memref<256xf32, #tpu.memory_space<vmem>>
    %dma_wait3A_87 = arith.constant 256 : i32
    %dma_wait3A_88 = tpu.memref_slice %arg10[%dma_wait3A_87] : memref<512xi32, #tpu.memory_space<vmem>> -> memref<256xi32, #tpu.memory_space<vmem>>
    %dma_wait3A_89 = arith.constant 0 : i32
    %dma_wait3A_90 = tpu.memref_slice %arg8[%dma_wait3A_89] : memref<1000000xf32, #tpu.memory_space<hbm>> -> memref<1000000xf32, #tpu.memory_space<hbm>>
    tpu.wait_indirect_dma semaphore(%arg19 : memref<!tpu.dma_semaphore, #tpu.memory_space<semaphore_mem>>) src(%dma_wait3A_90 : memref<1000000xf32, #tpu.memory_space<hbm>>) dst(%dma_wait3A_86 : memref<256xf32, #tpu.memory_space<vmem>>)
    %scan3A_91 = arith.constant 16 : i32
    %scan3A_92 = arith.constant 16 : i32
    %scan3A_93 = arith.addi %scan3A_91, %scan3A_92 : i32
    %scan3A_94 = arith.constant 1 : i32
    %scan3A_95 = scf.for %scan3A_100 = %scan3A_91 to %scan3A_93 step %scan3A_94 iter_args(%scan3A_101 = %scan3A_71) -> (vector<16xf32>)  : i32 {
      %mul3A_102 = arith.constant 16 : i32
      %mul3A_103 = arith.muli %scan3A_100, %mul3A_102 : i32
      %multiple_of3A = tpu.assume_multiple %mul3A_103, 16 : i32
      %get3A = arith.index_cast %multiple_of3A : i32 to index
      %get3A_104 = tpu.vector_load %arg11[%get3A] {strides = array<i32>} : memref<512xf32, #tpu.memory_space<vmem>>, vector<16xf32>,
      %get3A_105 = vector.shape_cast %get3A_104 : vector<16xf32> to vector<16xf32>
      %get3A_106 = arith.index_cast %multiple_of3A : i32 to index
      %get3A_107 = tpu.vector_load %arg14[%get3A_106] {strides = array<i32>} : memref<512xf32, #tpu.memory_space<vmem>>, vector<16xf32>,
      %get3A_108 = vector.shape_cast %get3A_107 : vector<16xf32> to vector<16xf32>
      %sub3A = arith.constant 7.600000e-02 : f32
      %sub3A_109 = vector.broadcast %sub3A : f32 to vector<16xf32>
      %sub3A_110 = arith.subf %get3A_108, %sub3A_109 : vector<16xf32>
      %mul3A_111 = arith.mulf %get3A_105, %sub3A_110 : vector<16xf32>
      %get3A_112 = arith.index_cast %multiple_of3A : i32 to index
      %get3A_113 = tpu.vector_load %arg12[%get3A_112] {strides = array<i32>} : memref<512xf32, #tpu.memory_space<vmem>>, vector<16xf32>,
      %get3A_114 = vector.shape_cast %get3A_113 : vector<16xf32> to vector<16xf32>
      %get3A_115 = arith.index_cast %multiple_of3A : i32 to index
      %get3A_116 = tpu.vector_load %arg15[%get3A_115] {strides = array<i32>} : memref<512xf32, #tpu.memory_space<vmem>>, vector<16xf32>,
      %get3A_117 = vector.shape_cast %get3A_116 : vector<16xf32> to vector<16xf32>
      %sub3A_118 = arith.constant 6.380000e+00 : f32
      %sub3A_119 = vector.broadcast %sub3A_118 : f32 to vector<16xf32>
      %sub3A_120 = arith.subf %get3A_117, %sub3A_119 : vector<16xf32>
      %mul3A_121 = arith.mulf %get3A_114, %sub3A_120 : vector<16xf32>
      %add3A_122 = arith.addf %mul3A_111, %mul3A_121 : vector<16xf32>
      %get3A_123 = arith.index_cast %multiple_of3A : i32 to index
      %get3A_124 = tpu.vector_load %arg13[%get3A_123] {strides = array<i32>} : memref<512xf32, #tpu.memory_space<vmem>>, vector<16xf32>,
      %get3A_125 = vector.shape_cast %get3A_124 : vector<16xf32> to vector<16xf32>
      %get3A_126 = arith.index_cast %multiple_of3A : i32 to index
      %get3A_127 = tpu.vector_load %arg16[%get3A_126] {strides = array<i32>} : memref<512xf32, #tpu.memory_space<vmem>>, vector<16xf32>,
      %get3A_128 = vector.shape_cast %get3A_127 : vector<16xf32> to vector<16xf32>
      %sub3A_129 = arith.constant 3.000000e+00 : f32
      %sub3A_130 = vector.broadcast %sub3A_129 : f32 to vector<16xf32>
      %sub3A_131 = arith.subf %get3A_128, %sub3A_130 : vector<16xf32>
      %mul3A_132 = arith.mulf %get3A_125, %sub3A_131 : vector<16xf32>
      %add3A_133 = arith.addf %add3A_122, %mul3A_132 : vector<16xf32>
      %add3A_134 = arith.addf %scan3A_101, %add3A_133 : vector<16xf32>
      scf.yield %add3A_134 : vector<16xf32>
    }
    %scan3A_96 = arith.constant 16 : i32
    %swap3A = arith.constant 0 : index
    %swap3A_97 = tpu.vector_load %arg17[%swap3A] {strides = array<i32>} : memref<16xf32, #tpu.memory_space<vmem>>, vector<16xf32>,
    %swap3A_98 = vector.shape_cast %swap3A_97 : vector<16xf32> to vector<16xf32>
    %swap3A_99 = vector.shape_cast %scan3A_95 : vector<16xf32> to vector<16xf32>
    tpu.vector_store %arg17[%swap3A], %swap3A_99 {strides = array<i32>} : memref<16xf32, #tpu.memory_space<vmem>>, vector<16xf32>,
    "tpu.region"() ({
      %run_scoped3A = tpu.sem_alloc : memref<!tpu.dma_semaphore, #tpu.memory_space<semaphore_mem>>
      %dma_start3A_100 = arith.constant 0 : i32
      %dma_start3A_101 = tpu.memref_slice %arg9[%add3A, %dma_start3A_100] : memref<32x16xf32, #tpu.memory_space<hbm>> -> memref<1x16xf32, #tpu.memory_space<hbm>>
      %dma_start3A_102 = tpu.memref_squeeze %dma_start3A_101 : memref<1x16xf32, #tpu.memory_space<hbm>> -> memref<16xf32, #tpu.memory_space<hbm>>
      %dma_start3A_103 = arith.constant 0 : i32
      %dma_start3A_104 = tpu.memref_slice %arg9[%add3A, %dma_start3A_103] : memref<32x16xf32, #tpu.memory_space<hbm>> -> memref<1x16xf32, #tpu.memory_space<hbm>>
      %dma_start3A_105 = tpu.memref_squeeze %dma_start3A_104 : memref<1x16xf32, #tpu.memory_space<hbm>> -> memref<16xf32, #tpu.memory_space<hbm>>
      tpu.enqueue_dma source(%arg17 : memref<16xf32, #tpu.memory_space<vmem>>) target(%dma_start3A_105 : memref<16xf32, #tpu.memory_space<hbm>>) target_semaphore(%run_scoped3A : memref<!tpu.dma_semaphore, #tpu.memory_space<semaphore_mem>>)
      %dma_wait3A_106 = arith.constant 0 : i32
      %dma_wait3A_107 = tpu.memref_slice %arg9[%add3A, %dma_wait3A_106] : memref<32x16xf32, #tpu.memory_space<hbm>> -> memref<1x16xf32, #tpu.memory_space<hbm>>
      %dma_wait3A_108 = tpu.memref_squeeze %dma_wait3A_107 : memref<1x16xf32, #tpu.memory_space<hbm>> -> memref<16xf32, #tpu.memory_space<hbm>>
      %dma_wait3A_109 = arith.constant 0 : i32
      %dma_wait3A_110 = tpu.memref_slice %arg9[%add3A, %dma_wait3A_109] : memref<32x16xf32, #tpu.memory_space<hbm>> -> memref<1x16xf32, #tpu.memory_space<hbm>>
      %dma_wait3A_111 = tpu.memref_squeeze %dma_wait3A_110 : memref<1x16xf32, #tpu.memory_space<hbm>> -> memref<16xf32, #tpu.memory_space<hbm>>
      tpu.wait_dma2 semaphore(%run_scoped3A : memref<!tpu.dma_semaphore, #tpu.memory_space<semaphore_mem>>) src(%arg17 : memref<16xf32, #tpu.memory_space<vmem>>) dst(%dma_wait3A_111 : memref<16xf32, #tpu.memory_space<hbm>>)
      tpu.yield
    }) : () -> ()
    return
  }
}

</mosaic_0001>

<sc_bundles>
// kernel: kernel.3.cloned.1.call-start
scs
__scs_entry_jumppad:
0x0: {  	(pc) =	sbr.rel $0x88, $3  }
0x1: {  	(tag) =	ssettag $0x0;
	lr =	simm.s32 $0x1  }
0x2: {  	[smem:$0x3F99] =	sst lr;
	_ =	strace $0xD0000000  }
0x3: {  	_ = 	snop  }
0x4: {  	_ = 	snop  }
0x5: {  	_ = 	snop  }
0x6: {  	_ = 	snop  }
0x7: {  	_ = 	snop  }
__scs_overlays_trampoline_lowered:
0x8: {  	[smem:$0x3FA8] =	sst s0  }
0x9: {  	[smem:$0x3FA9] =	sst s1  }
0xa: {  	[smem:$0x3FAA] =	sst s2  }
0xb: {  	[smem:$0x3FAB] =	sst s3  }
0xc: {  	[smem:$0x3FAC] =	sst s4  }
0xd: {  	[smem:$0x3FAD] =	sst s5  }
0xe: {  	[smem:$0x3FAE] =	sst s6  }
0xf: {  	[smem:$0x3FAF] =	sst s7  }
0x10: {  	[smem:$0x3FB0] =	sst s8  }
0x11: {  	[smem:$0x3FB1] =	sst s9;
	s0 =	simm.s32 @!p0 $0x0  }
0x12: {  	s1 =	sld [smem:$0x3F97];
	s0 =	simm.s32 @p0 $0x1  }
0x13: {  	[smem:$0x3FB2] =	sst s0;
	s0 =	simm.s32 @!p1 $0x0  }
0x14: {  	s2 =	sld [smem:$0x3F96];
	s0 =	simm.s32 @p1 $0x1  }
0x15: {  	[smem:$0x3FB3] =	sst s0;
	s0 =	simm.s32 @!p2 $0x0  }
0x16: {  	s3 =	sld [smem:$0x3FDB];
	s0 =	simm.s32 @p2 $0x1  }
0x17: {  	s4 =	simm.s32 $0x1BF5;
	[smem:$0x3FB5] =	sst s0  }
0x18: {  	s0 =	sld [smem:$0x3F98];
	_ =	swait.ge [sflag:s4], $0x0  }
0x19: {  	s7 =	sld [smem:$0x3F99]  }
0x1a: {  	s8 =	sadd.s32 $0xFFFFE003, lr  }
0x1b: {  	s9 =	sadd.s32 $0xFFFFFEF7, lr;
	s5 =	simm.s32 $0xFFFFFFFF;
	p2 =	slt.u32 s8, $0xFFFFF086  }
0x1c: {  	p1 =	slt.u32 s9, $0xF7A;
	s5 =	simm.s32 @!p2 $0x0  }
0x1d: {  	s5 =	simm.s32 @p1 $0x1;
	p0 =	seq.s32 s7, s2  }
0x1e: {  	s7 =	smul.u32 @!p0 $0xF7A, s2;
	p2 =	seq.s32 @!p0 s5, $0x0  }
0x1f: {  	s9 =	smul.u32 $0xF7A, s1;
	s8 =	simm.s32 @!p0 $0x1BF5;
	p2 =	por !p2, p0  }
0x20: {  	[sflag:s8] =	ssyncset.s32 @!p0 $0xFFFFF086;
	s6 =	sadd.s32 @!p0 s3, s7;
	s7 =	simm.s32 @!p0 $0x108  }
0x21: {  	s3 =	sadd.s32 s3, s9;
	s6 =	sadd.s32 @!p0 $0x88, s6;
	s7 =	simm.s32 @p2 $0x1082  }
0x22: {  	[simem:s7], [sflag:s8] =	dma.local @!p0 [hbm:s6], $0xF7A  }
0x23: {  	s9 =	sor.u32 $0xD0000000, s2;
	s6 =	simm.s32 $0x108;
	_ =	swait.ge @!p0 [sflag:s8], $0x0  }
0x24: {  	s3 =	sadd.s32 $0x88, s3;
	s6 =	simm.s32 @!p1 $0x1082;
	[sflag:s4] =	ssyncset.s32 $0xFFFFF086  }
0x25: {  	[simem:s6], [sflag:s4] =	dma.local [hbm:s3], $0xF7A  }
0x26: {  	[smem:$0x3F99] =	sst s1;
	(tag) =	ssettag s2;
	_ =	strace s9  }
0x27: {  	s1 =	sld [smem:$0x3FA9]  }
0x28: {  	s2 =	sld [smem:$0x3FAA]  }
0x29: {  	s4 =	sld [smem:$0x3FAC]  }
0x2a: {  	p0 =	seq.s32 s5, $0x0;
	s5 =	sld [smem:$0x3FAD]  }
0x2b: {  	s6 =	sld [smem:$0x3FAE]  }
0x2c: {  	s7 =	sld [smem:$0x3FAF]  }
0x2d: {  	s3 =	simm.s32 $0x108;
	s8 =	sld [smem:$0x3FB0]  }
0x2e: {  	s3 =	simm.s32 @!p0 $0x1082;
	s9 =	sld [smem:$0x3FB1]  }
0x2f: {  	lr =	sadd.s32 s0, s3;
	s0 =	sld [smem:$0x3FA8]  }
0x30: {  	s3 =	sld [smem:$0x3FAB]  }
0x31: {  	[smem:$0x3FB4] =	sst s10  }
0x32: {  	s10 =	sld [smem:$0x3FB2];
	_ =	sdelay $0x3  }
0x33: {  	p0 =	seq.s32 s10, $0x1;
	s10 =	sld [smem:$0x3FB4];
	_ =	sdelay $0x3  }
0x34: {  	[smem:$0x3FB4] =	sst s10  }
0x35: {  	s10 =	sld [smem:$0x3FB3];
	_ =	sdelay $0x3  }
0x36: {  	p1 =	seq.s32 s10, $0x1;
	s10 =	sld [smem:$0x3FB4];
	_ =	sdelay $0x3  }
0x37: {  	[smem:$0x3FB4] =	sst s10  }
0x38: {  	s10 =	sld [smem:$0x3FB5]  }
0x39: {  	_ = 	snop;
	(pc) =	sbr.ind lr, $3  }
0x3a: {  	_ = 	snop  }
0x3b: {  	_ = 	snop  }
0x3c: {  	p2 =	seq.s32 s10, $0x1;
	s10 =	sld [smem:$0x3FB4]  }
0x3d: {  	_ =	shalt  }
0x3e: {  	_ =	shalt  }
0x3f: {  	_ =	shalt  }
0x40: {  	_ =	shalt  }
0x41: {  	_ =	shalt  }
0x42: {  	_ =	shalt  }
0x43: {  	_ =	shalt  }
0x44: {  	_ =	shalt  }
0x45: {  	_ =	shalt  }
0x46: {  	_ =	shalt  }
0x47: {  	_ =	shalt  }
0x48: {  	_ =	shalt  }
0x49: {  	_ =	shalt  }
0x4a: {  	_ =	shalt  }
0x4b: {  	_ =	shalt  }
0x4c: {  	_ =	shalt  }
0x4d: {  	_ =	shalt  }
0x4e: {  	_ =	shalt  }
0x4f: {  	_ =	shalt  }
0x50: {  	_ =	shalt  }
0x51: {  	_ =	shalt  }
0x52: {  	_ =	shalt  }
0x53: {  	_ =	shalt  }
0x54: {  	_ =	shalt  }
0x55: {  	_ =	shalt  }
0x56: {  	_ =	shalt  }
0x57: {  	_ =	shalt  }
0x58: {  	_ =	shalt  }
0x59: {  	_ =	shalt  }
0x5a: {  	_ =	shalt  }
0x5b: {  	_ =	shalt  }
0x5c: {  	_ =	shalt  }
0x5d: {  	_ =	shalt  }
0x5e: {  	_ =	shalt  }
0x5f: {  	_ =	shalt  }
0x60: {  	_ =	shalt  }
0x61: {  	_ =	shalt  }
0x62: {  	_ =	shalt  }
0x63: {  	_ =	shalt  }
0x64: {  	_ =	shalt  }
0x65: {  	_ =	shalt  }
0x66: {  	_ =	shalt  }
0x67: {  	_ =	shalt  }
0x68: {  	_ =	shalt  }
0x69: {  	_ =	shalt  }
0x6a: {  	_ =	shalt  }
0x6b: {  	_ =	shalt  }
0x6c: {  	_ =	shalt  }
0x6d: {  	_ =	shalt  }
0x6e: {  	_ =	shalt  }
0x6f: {  	_ =	shalt  }
0x70: {  	_ =	shalt  }
0x71: {  	_ =	shalt  }
0x72: {  	_ =	shalt  }
0x73: {  	_ =	shalt  }
0x74: {  	_ =	shalt  }
0x75: {  	_ =	shalt  }
0x76: {  	_ =	shalt  }
0x77: {  	_ =	shalt  }
0x78: {  	_ =	shalt  }
0x79: {  	_ =	shalt  }
0x7a: {  	_ =	shalt  }
0x7b: {  	_ =	shalt  }
0x7c: {  	_ =	shalt  }
0x7d: {  	_ =	shalt  }
0x7e: {  	_ =	shalt  }
0x7f: {  	_ =	shalt  }
0x80: {  	_ =	shalt  }
0x81: {  	_ =	shalt  }
0x82: {  	_ =	shalt  }
0x83: {  	_ =	shalt  }
0x84: {  	_ =	shalt  }
0x85: {  	_ =	shalt  }
0x86: {  	_ =	shalt  }
0x87: {  	_ =	shalt  }
.Lfunc_end0:
.L_simem_size_0:
called_computation_lowered:
.L_overlay_start_0:
0x88: {  	s2 =	sld [smem:$0x3FD9]  }
0x89: {  	s3 =	sld [smem:$0x3FFE];
	_ =	sdelay $0x1  }
0x8a: {  	s1 =	srdreg.scid  }
0x8b: {  	s0 =	sand.u32 $0x1, s1  }
0x8c: {  	s17 =	sshll.u32 s0, $0xA;
	s2 =	sadd.s32 s3, s2  }
0x8d: {  	s2 =	sadd.s32 s2, s17  }
0x8e: {  	[smem:$0x3FC0] =	sst s2  }
0x8f: {  	_ = 	snop  }
0x90: {  	s2 =	sld [smem:$0x3FC8]  }
0x91: {  	s18 =	sld [smem:$0x3FC7]  }
0x92: {  	s4 =	sld [smem:$0x3FC6]  }
0x93: {  	s5 =	sld [smem:$0x3FC5]  }
0x94: {  	s6 =	sld [smem:$0x3FC4]  }
0x95: {  	s7 =	sld [smem:$0x3FC3]  }
0x96: {  	s8 =	sld [smem:$0x3FC2];
	(tm) =	ssettm $0x1  }
0x97: {  	s9 =	sld [smem:$0x3FFB];
	_ =	sdelay $0x3  }
0x98: {  	_ =	strace s9  }
0x99: {  	s9 =	sld [smem:$0x3FFC];
	_ =	sdelay $0x3  }
0x9a: {  	_ =	strace s9  }
0x9b: {  	s9 =	sld [smem:$0x3FFD];
	_ =	sdelay $0x3  }
0x9c: {  	_ =	strace s9  }
0x9d: {  	_ =	strace $0x8FFFFFFF  }
0x9e: {  	s19 =	sld [smem:$0x3FDB];
	_ =	sdelay $0x1  }
0x9f: {  	s10 =	simm.s32 $_scs_section_size  }
0xa0: {  	s11 =	simm.s32 $_size__tile_overlayer_lowered;
	s12 =	simm.s32 $_tile_overlayer_lowered  }
0xa1: {  	s22 =	simm.s32 $0x1BFF;
	s21 =	sshll.u32 s12, $0x1;
	s9 =	sadd.s32 s10, s19  }
0xa2: {  	s13 =	simm.s32 $0x0;
	s20 =	sshll.u32 s11, $0x1;
	s11 =	sadd.s32 s21, s9  }
0xa3: {  	[timem:s13], [sflag:s22] =	dma.local [hbm:s11], s20  }
0xa4: {  	_ =	swait.ge [sflag:s22], s20  }
0xa5: {  	s10 =	ssub.s32 $0x0, s20;
	[sflag:s22] =	ssyncset.done $0x0  }
0xa6: {  	[sflag:s22] =	ssyncadd.s32 s10;
	_ =	sdelay $0x1  }
0xa7: {  	s23 =	simm.s32 $0x1B8B  }
0xa8: {  	_ =	swait.ge [sflag:s23], $0x1  }
0xa9: {  	[sflag:s23] =	ssyncset.done $0x0  }
0xaa: {  	s25 =	simm.s32 $0x1B8E;
	s24 =	sld [smem:$0x3FFE];
	[sflag:s23] =	ssyncadd.s32 $0xFFFFFFFF  }
0xab: {  	s26 =	simm.s32 $execute0_lowered;
	[smem:$0x3FD2] =	sst s25  }
0xac: {  	s11 =	sshll.u32 s26, $0x1;
	_ =	strace $0x80000046;
	[dreg:$0x1] =	wrdreg $0xFFFFFFFF  }
0xad: {  	s28 =	simm.s32 $_size_execute0_lowered;
	s9 =	sadd.s32 s9, s11;
	[dreg:$0x0] =	wrdreg $0x0  }
0xae: {  	s11 =	sshll.u32 s28, $0x1;
	[dreg:$0x2] =	wrdreg s9  }
0xaf: {  	[dreg:$0x3] =	wrdreg s11  }
0xb0: {  	[dreg:$0x4] =	wrdreg $0xC0  }
0xb1: {  	_ =	task [dreg:s13], $0x5FFFF  }
0xb2: {  	[dreg:$0x1] =	wrdreg $0xFFFFFFFF  }
0xb3: {  	[dreg:$0x0] =	wrdreg $0x60  }
0xb4: {  	[dreg:$0x2] =	wrdreg s5  }
0xb5: {  	[dreg:$0x3] =	wrdreg s2  }
0xb6: {  	[dreg:$0x4] =	wrdreg s18  }
0xb7: {  	[dreg:$0x5] =	wrdreg s4  }
0xb8: {  	[dreg:$0x6] =	wrdreg s6  }
0xb9: {  	[dreg:$0x7] =	wrdreg s7  }
0xba: {  	[dreg:$0x8] =	wrdreg s8  }
0xbb: {  	[dreg:$0x9] =	wrdreg s24  }
0xbc: {  	[dreg:$0xa] =	wrdreg $0x9  }
0xbd: {  	_ =	task.clear_ibuf [dreg:s13], $0xBFFFF;
	_ =	strace $0x90000046  }
0xbe: {  	s29 =	simm.s32 $0x9;
	_ =	strace $0x80000048  }
0xbf: {  	_ =	swait.ge [sflag:s29], $0x1  }
0xc0: {  	[sflag:s29] =	ssyncadd.s32 $0xFFFFFFFF  }
0xc1: {  	_ =	strace $0x90000048  }
0xc2: {  	_ =	sfence  }
0xc3: {  	s30 =	sld [smem:$0x0];
	_ =	sdelay $0x2  }
0xc4: {  	s31 =	sshll.u32 s1, $0xD;
	s1 =	sshrl.u32 s1, $0x2  }
0xc5: {  	s3 =	sand.u32 $0x4000, s31;
	s1 =	sadd.s32 s1, s30  }
0xc6: {  	s0 =	sor.u32 s3, s0;
	s1 =	sshll.u32 s1, $0x11  }
0xc7: {  	s0 =	sor.u32 s1, s0  }
0xc8: {  	s0 =	sadd.s32 $0x8F2B, s0  }
0xc9: {  	[sflag:s0] =	ssyncadd.remote.s32 $0x1  }
0xca: {  	_ =	sfence.sel $0xFFFF  }
0xcb: {  	[dreg:$0x0] =	wrdreg $0xFFFFFFFF;
	(pc) =	sbr.abs _section_cstart, $3  }
0xcc: {  	[dreg:$0x1] =	wrdreg $0xFFFFFFFF  }
0xcd: {  	_ =	task.clear_ibuf [dreg:s13], $0x2FFFF;
	_ =	strace $0x9FFFFFFF  }
0xce: {  	(tm) =	ssettm $0x7FFFFFFF  }
0xcf: {  	_ =	shalt  }
tec
execute0_lowered:
.L_overlay_start_1:
0x0: {  	(tag) =	ssettag $0x1  }
0x1: {  	s9 =	rddreg [dreg:$0x0]  }
0x2: {  	s6 =	rddreg [dreg:$0x1]  }
0x3: {  	s7 =	rddreg [dreg:$0x2]  }
0x4: {  	s8 =	rddreg [dreg:$0x3]  }
0x5: {  	s1 =	rddreg [dreg:$0x4]  }
0x6: {  	s3 =	rddreg [dreg:$0x5]  }
0x7: {  	s4 =	rddreg [dreg:$0x6]  }
0x8: {  	s10 =	rddreg [dreg:$0x7]  }
0x9: {  	s5 =	srdreg.scid;
	s2 =	stileid.u32  }
0xa: {  	s0 =	rddreg [dreg:$0x8];
	s15 =	simm.s32 $0x3;
	s16 =	simm.s32 $0x100  }
0xb: {  	s17 =	simm.s32 $0x200;
	s18 =	simm.s32 $0x400;
	s19 =	simm.s32 $0x600  }
0xc: {  	s20 =	simm.s32 $0x300;
	s21 =	simm.s32 $0x500;
	s22 =	simm.s32 $0x700  }
0xd: {  	s23 =	simm.s32 $0x1;
	s24 =	simm.s32 $0x2;
	s25 =	simm.s32 $0xE00  }
0xe: {  	s26 =	simm.s32 $0x0;
	s11 =	sand.u32 $0x1, s5;
	s12 =	sshll.u32 s2, $0x1  }
0xf: {  	s5 =	simm.s32 $0x0;
	s13 =	ssub.s32 $0x2, s11;
	s11 =	sor.u32 s11, s12  }
0x10: {  	[smem:$0x7FF] =	sst s5;
	s31 =	sshrl.u32 s13, $0x1;
	s14 =	sshll.u32 s11, $0x6  }
0x11: {  	_ =	strace $0x80000047;
	s11 =	sshll.u32 s11, $0x4;
	s12 =	ssub.s32 s13, s31  }
0x12: {  	s6 =	sadd.s32 s6, s14;
	s7 =	sadd.s32 s7, s14;
	s8 =	sadd.s32 s8, s14  }
0x13: {  	s9 =	sadd.s32 s9, s14;
	s10 =	sadd.s32 s10, s11;
	s13 =	simm.s32 $0xA00  }
0x14: {  	s14 =	simm.s32 $0xC00;
	s11 =	smax.u32 s12, $0x1;
	s12 =	simm.s32 $0x800  }
.LBB2_1:
0x15: {  	[tilespmem:s12], [sflag:$0x1] =	stream.linear.gather [hbm4b:s6+s5], $0x200, $0x38;
	[tilespmem:$0xE80] =	vst v63  }
0x16: {  	_ = 	snop  }
0x17: {  	[tilespmem:s13], [sflag:$0x1] =	stream.linear.gather [hbm4b:s7+s5], $0x200, $0x38;
	[tilespmem:$0xE80] =	vst v63  }
0x18: {  	_ = 	snop  }
0x19: {  	[tilespmem:s14], [sflag:$0x1] =	stream.linear.gather [hbm4b:s8+s5], $0x200, $0x38;
	[tilespmem:$0xE80] =	vst v63  }
0x1a: {  	_ = 	snop  }
0x1b: {  	[tilespmem:s5], [sflag:$0x3] =	stream.linear.gather [hbm4b:s9+s5], $0x200, $0x38;
	[tilespmem:$0xE80] =	vst v63  }
0x1c: {  	_ =	swait.ge [sflag:s15], $0x200  }
0x1d: {  	[sflag:s15] =	ssyncset.done $0x0  }
0x1e: {  	[sflag:s15] =	ssyncadd.s32 $0xFFFFFE00  }
0x1f: {  	[tilespmem:s17], [sflag:$0x1] =	stream.indirect.gather [hbm4b:s1+s16], $0x1, s5, s16, $0xb8;
	[tilespmem:$0xE80] =	vst v63  }
0x20: {  	_ = 	snop  }
0x21: {  	[tilespmem:s18], [sflag:$0x1] =	stream.indirect.gather [hbm4b:s3+s16], $0x1, s5, s16, $0xb8;
	[tilespmem:$0xE80] =	vst v63  }
0x22: {  	_ = 	snop  }
0x23: {  	[tilespmem:s19], [sflag:$0x1] =	stream.indirect.gather [hbm4b:s4+s16], $0x1, s5, s16, $0xb8;
	[tilespmem:$0xE80] =	vst v63  }
0x24: {  	_ = 	snop  }
0x25: {  	[tilespmem:s20], [sflag:$0x2] =	stream.indirect.gather [hbm4b:s1+s16], $0x1, s16, s16, $0xb8;
	[tilespmem:$0xE80] =	vst v63  }
0x26: {  	_ = 	snop  }
0x27: {  	[tilespmem:s21], [sflag:$0x2] =	stream.indirect.gather [hbm4b:s3+s16], $0x1, s16, s16, $0xb8;
	[tilespmem:$0xE80] =	vst v63  }
0x28: {  	_ = 	snop  }
0x29: {  	[tilespmem:s22], [sflag:$0x2] =	stream.indirect.gather [hbm4b:s4+s16], $0x1, s16, s16, $0xb8;
	[tilespmem:$0xE80] =	vst v63  }
0x2a: {  	_ =	swait.ge [sflag:s23], $0x200  }
0x2b: {  	[sflag:s23] =	ssyncset.done $0x0  }
0x2c: {  	[sflag:s23] =	ssyncadd.s32 $0xFFFFFE00  }
0x2d: {  	_ =	swait.ge [sflag:s23], $0x200  }
0x2e: {  	[sflag:s23] =	ssyncset.done $0x0  }
0x2f: {  	[sflag:s23] =	ssyncadd.s32 $0xFFFFFE00  }
0x30: {  	_ =	swait.ge [sflag:s23], $0x200  }
0x31: {  	[sflag:s23] =	ssyncset.done $0x0  }
0x32: {  	[sflag:s23] =	ssyncadd.s32 $0xFFFFFE00  }
0x33: {  	_ =	swait.ge [sflag:s23], $0x100  }
0x34: {  	[sflag:s23] =	ssyncset.done $0x0  }
0x35: {  	[sflag:s23] =	ssyncadd.s32 $0xFFFFFF00  }
0x36: {  	_ =	swait.ge [sflag:s23], $0x100  }
0x37: {  	[sflag:s23] =	ssyncset.done $0x0  }
0x38: {  	[sflag:s23] =	ssyncadd.s32 $0xFFFFFF00  }
0x39: {  	_ =	swait.ge [sflag:s23], $0x100  }
0x3a: {  	[sflag:s23] =	ssyncset.done $0x0  }
0x3b: {  	s29 =	simm.s32 $0x0;
	[sflag:s23] =	ssyncadd.s32 $0xFFFFFF00  }
0x3c: {  	v6 =	vld [tilespmem:s29+$0x200]  }
0x3d: {  	v0 =	vld [tilespmem:s29+$0x800]  }
0x3e: {  	v3 =	vld [tilespmem:s29+$0xA00]  }
0x3f: {  	v7 =	vld [tilespmem:s29+$0xC00]  }
0x40: {  	v9 =	vld [tilespmem:s29+$0x400]  }
0x41: {  	s28 =	simm.s32 $0x10;
	v2 =	vld [tilespmem:s29+$0x600]  }
0x42: {  	v1 =	vld [tilespmem:s28+$0x200]  }
0x43: {  	v4 =	vld [tilespmem:s28+$0x800];
	v8 =	vadd.f32 $-7.599999760e-02, v0;
	v10 =	vadd.f32 $-6.380000110e+00, v3  }
0x44: {  	v5 =	vld [tilespmem:s28+$0xA00]  }
0x45: {  	v3 =	vld [tilespmem:s28+$0xC00];
	v7 =	vadd.f32 $-3.000000000e+00, v7;
	v8 =	vmul.f32 v8, v6;
	v9 =	vmul.f32 v10, v9  }
0x46: {  	s29 =	simm.s32 $0x80;
	v0 =	vimm.f32 $0.0e+00;
	v6 =	vld [tilespmem:s28+$0x400]  }
.LBB2_2:
0x47: {  	v8 =	vadd.f32 v9, v8;
	v7 =	vmul.f32 v7, v2;
	v2 =	vld [tilespmem:s28+$0x600];
	s28 =	sshra.s32 s29, $0x2;
	v9 =	vmov v1;
	p0 =	sne.s32 s29, $0x3C0  }
.Ltmp0:
0x48: {  	v1 =	vld [tilespmem:s28+$0x200];
	v10 =	vadd.f32 $-7.599999760e-02, v4;
	(pc) =	sbr.rel @p0 .LBB2_2-.Ltmp0, $4  }
0x49: {  	s29 =	sadd.s32 $0x40, s29;
	v4 =	vld [tilespmem:s28+$0x800];
	v11 =	vadd.f32 $-6.380000110e+00, v5;
	v12 =	vadd.f32 v7, v8  }
0x4a: {  	v5 =	vld [tilespmem:s28+$0xA00];
	v7 =	vadd.f32 $-3.000000000e+00, v3  }
0x4b: {  	v8 =	vmul.f32 v10, v9;
	v3 =	vld [tilespmem:s28+$0xC00];
	v9 =	vmul.f32 v11, v6;
	v0 =	vadd.f32 v12, v0  }
0x4c: {  	v6 =	vld [tilespmem:s28+$0x400]  }
0x4d: {  	v10 =	vld [tilespmem:s28+$0x600];
	_ =	swait.ge [sflag:s24], $0x100  }
0x4e: {  	[sflag:s24] =	ssyncset.done $0x0  }
0x4f: {  	[sflag:s24] =	ssyncadd.s32 $0xFFFFFF00  }
0x50: {  	_ =	swait.ge [sflag:s24], $0x100  }
0x51: {  	[sflag:s24] =	ssyncset.done $0x0  }
0x52: {  	[sflag:s24] =	ssyncadd.s32 $0xFFFFFF00  }
0x53: {  	_ =	swait.ge [sflag:s24], $0x100  }
0x54: {  	[sflag:s24] =	ssyncset.done $0x0  }
0x55: {  	s29 =	simm.s32 $0x0;
	[sflag:s24] =	ssyncadd.s32 $0xFFFFFF00  }
0x56: {  	v4 =	vadd.f32 $-7.599999760e-02, v4;
	v5 =	vadd.f32 $-6.380000110e+00, v5;
	v11 =	vld [tilespmem:s29+$0x300]  }
0x57: {  	v8 =	vadd.f32 v9, v8;
	v2 =	vmul.f32 v7, v2;
	v12 =	vld [tilespmem:s29+$0x900]  }
0x58: {  	v3 =	vadd.f32 $-3.000000000e+00, v3;
	v1 =	vmul.f32 v4, v1;
	v4 =	vmul.f32 v5, v6;
	v7 =	vld [tilespmem:s29+$0xB00]  }
0x59: {  	v6 =	vld [tilespmem:s29+$0xD00]  }
0x5a: {  	v5 =	vadd.f32 v2, v8;
	v3 =	vmul.f32 v3, v10;
	v4 =	vadd.f32 v4, v1;
	v9 =	vld [tilespmem:s29+$0x500]  }
0x5b: {  	s28 =	simm.s32 $0x10;
	v1 =	vld [tilespmem:s29+$0x700]  }
0x5c: {  	v0 =	vadd.f32 v5, v0;
	v4 =	vadd.f32 v3, v4;
	v2 =	vld [tilespmem:s28+$0x300]  }
0x5d: {  	v3 =	vld [tilespmem:s28+$0x900];
	v8 =	vadd.f32 $-7.599999760e-02, v12;
	v10 =	vadd.f32 $-6.380000110e+00, v7  }
0x5e: {  	v5 =	vld [tilespmem:s28+$0xB00];
	v0 =	vadd.f32 v4, v0  }
0x5f: {  	v4 =	vld [tilespmem:s28+$0xD00];
	v7 =	vadd.f32 $-3.000000000e+00, v6;
	v8 =	vmul.f32 v8, v11;
	v9 =	vmul.f32 v10, v9  }
0x60: {  	s29 =	simm.s32 $0x80;
	v6 =	vld [tilespmem:s28+$0x500]  }
.LBB2_4:
0x61: {  	v8 =	vadd.f32 v9, v8;
	v7 =	vmul.f32 v7, v1;
	v1 =	vld [tilespmem:s28+$0x700];
	s28 =	sshra.s32 s29, $0x2;
	v9 =	vmov v2;
	p0 =	sne.s32 s29, $0x3C0  }
.Ltmp1:
0x62: {  	v2 =	vld [tilespmem:s28+$0x300];
	v10 =	vadd.f32 $-7.599999760e-02, v3;
	(pc) =	sbr.rel @p0 .LBB2_4-.Ltmp1, $4  }
0x63: {  	s29 =	sadd.s32 $0x40, s29;
	v3 =	vld [tilespmem:s28+$0x900];
	v11 =	vadd.f32 $-6.380000110e+00, v5;
	v12 =	vadd.f32 v7, v8  }
0x64: {  	v5 =	vld [tilespmem:s28+$0xB00];
	v7 =	vadd.f32 $-3.000000000e+00, v4  }
0x65: {  	v8 =	vmul.f32 v10, v9;
	v4 =	vld [tilespmem:s28+$0xD00];
	v9 =	vmul.f32 v11, v6;
	v0 =	vadd.f32 v12, v0  }
0x66: {  	v6 =	vld [tilespmem:s28+$0x500]  }
0x67: {  	_ = 	snop  }
0x68: {  	v10 =	vld [tilespmem:s28+$0x700]  }
0x69: {  	v3 =	vadd.f32 $-7.599999760e-02, v3;
	v5 =	vadd.f32 $-6.380000110e+00, v5  }
0x6a: {  	v8 =	vadd.f32 v9, v8;
	v1 =	vmul.f32 v7, v1  }
0x6b: {  	v4 =	vadd.f32 $-3.000000000e+00, v4;
	v2 =	vmul.f32 v3, v2;
	v61 =	vmul.f32 v5, v6;
	_ =	sdelay $0x1  }
0x6c: {  	v1 =	vadd.f32 v1, v8;
	v62 =	vmul.f32 v4, v10;
	v2 =	vadd.f32 v61, v2;
	_ =	sdelay $0x1  }
0x6d: {  	v0 =	vadd.f32 v1, v0;
	v63 =	vadd.f32 v62, v2;
	_ =	sdelay $0x1  }
0x6e: {  	s26 =	sadd.s32 $0x1, s26;
	v0 =	vadd.f32 v63, v0  }
0x6f: {  	p0 =	sne.s32 s26, s11  }
.Ltmp2:
0x70: {  	[tilespmem:$0xE00] =	vst v0;
	(pc) =	sbr.rel @p0 .LBB2_1-.Ltmp2, $4  }
0x71: {  	[hbm4b:s10+s5] =	stream.linear.scatter [tilespmem:s25], [sflag:$0x3], $0x80, $0x38;
	[tilespmem:$0xE80] =	vst v63  }
0x72: {  	_ =	swait.ge [sflag:s15], $0x80  }
0x73: {  	[sflag:s15] =	ssyncset.done $0x0  }
0x74: {  	[sflag:s15] =	ssyncadd.s32 $0xFFFFFF80  }
0x75: {  	_ =	sfence.sel $0x180000  }
0x76: {  	[bflag:$0x0] =	sbarrier.arrive $0xFFFF  }
0x77: {  	p0 =	sne.s32 s2, $0x0;
	_ =	strace $0x90000047  }
0x78: {  	s0 =	sadd.s32 @!p0 $0x100000, s0;
	[bflag:$0x2] =	sbarrier.arrive $0xFFFF  }
0x79: {  	[sflag:s0] =	ssyncadd.tile.s32 @!p0 $0x1;
	_ =	shalt  }
.Lfunc_end2:
_tile_overlayer_lowered:
.L_overlay_start_2:
0x7a: {  	(tag) =	ssettag $0x2  }
0x7b: {  	s0 =	rddreg [dreg:$0x0];
	s2 =	stileid.u32  }
0x7c: {  	s1 =	rddreg [dreg:$0x1];
	p0 =	sne.s32 s2, $0x0  }
0x7d: {  	s3 =	rddreg [dreg:$0x2];
	[bflag:$0x3] =	sbarrier.arrive $0xFFFF;
	s2 =	simm.s32 @!p0 $0x1C03  }
0x7e: {  	[timem:s3], [sflag:s2] =	dma.local @!p0 [hbm:s0], s1  }
0x7f: {  	s0 =	simm.s32 @!p0 $0x3  }
0x80: {  	_ =	swait.ge @!p0 [sflag:s0], s1  }
0x81: {  	s1 =	ssub.s32 @!p0 $0x0, s1;
	[sflag:s0] =	ssyncset.done @!p0 $0x0  }
0x82: {  	[sflag:s0] =	ssyncadd.s32 @!p0 s1  }
0x83: {  	[bflag:$0x3] =	sbarrier.arrive $0xFFFF  }
0x84: {  	_ =	shalt  }

</sc_bundles>
